<compile_context>
chip_gen: v7x
topology: tpu7x:2x2x1
jax: 0.10.2.dev20260603
libtpu: 0.0.44.dev20260713+nightly
codegen_flags: <defaults>
</compile_context>

<pallas_src>
import functools

import jax
import jax.numpy as jnp
from jax import lax
from jax.experimental import pallas as pl
from jax.experimental.pallas import tpu as pltpu
from jax.experimental.pallas import tpu_sc as plsc

_PI = 3.141592653589793
_B = 32
_D = 16

_S = (0.9999994487625018, -0.1666652052026121, 0.008332213456463705,
      -0.0001980409467322523, 2.6949810250816164e-06,
      -2.0183356264080743e-08)
_C = (0.9999988662725678, -0.49999236445676765, 0.04165820791662088,
      -0.0013854161244634651, 2.4147561505205584e-05,
      -2.1742084399534178e-07)


def _poly_sin_cos(p):
    x2 = p * p
    sp = _S[5]
    for c in _S[4::-1]:
        sp = sp * x2 + c
    sp = sp * p
    cp = _C[5]
    for c in _C[4::-1]:
        cp = cp * x2 + c
    return sp, cp


def _make_sc_gather():
    mesh = plsc.VectorSubcoreMesh(core_axis_name="c", subcore_axis_name="s")

    @functools.partial(
        pl.kernel,
        mesh=mesh,
        compiler_params=pltpu.CompilerParams(
            use_tc_tiling_on_sc=False,
            needs_layout_passes=False,
        ),
        out_type=[
            jax.ShapeDtypeStruct((_B, _D), jnp.float32),
            jax.ShapeDtypeStruct((_B, _D), jnp.float32),
        ],
        scratch_types=[
            pltpu.VMEM((_B,), jnp.int32),
            pltpu.VMEM((_B, _D), jnp.float32),
            pltpu.SemaphoreType.DMA,
        ],
    )
    def sc_gather(hidx_hbm, ridx_hbm, ent_hbm, rel_hbm, heads_out, rels_out,
                  idx_v, rows_v, sem):
        wid = lax.axis_index("s") * 2 + lax.axis_index("c")

        def gather_rows(idx_hbm, src_hbm, dst_hbm):
            pltpu.sync_copy(idx_hbm, idx_v)
            pltpu.async_copy(src_hbm.at[idx_v], rows_v, sem).wait()
            pltpu.sync_copy(rows_v, dst_hbm)

        @pl.when(wid == 0)
        def _():
            gather_rows(hidx_hbm, ent_hbm, heads_out)

        @pl.when(wid == 1)
        def _():
            gather_rows(ridx_hbm, rel_hbm, rels_out)

    return sc_gather


def _prep_body(entT_ref, relT_ref, scale_ref):
    scale_ref[0, 0] = _PI / jnp.max(jnp.abs(entT_ref[...]))
    scale_ref[0, 1] = _PI / jnp.max(jnp.abs(relT_ref[...]))


def _sweep_body(scale_ref, heads_ref, rels_ref, entT_ref, out_ref,
                sinA_ref, cosA_ref):
    @pl.when(pl.program_id(0) == 0)
    def _():
        a = heads_ref[...] * scale_ref[0, 0] + rels_ref[...] * scale_ref[0, 1]
        sinA_ref[...] = jnp.sin(a)
        cosA_ref[...] = jnp.cos(a)

    p = entT_ref[...] * scale_ref[0, 0]
    sp, cp = _poly_sin_cos(p)
    dn = (((1,), (0,)), ((), ()))
    out_ref[...] = (
        jax.lax.dot_general(cosA_ref[...], sp, dn,
                            preferred_element_type=jnp.float32)
        - jax.lax.dot_general(sinA_ref[...], cp, dn,
                              preferred_element_type=jnp.float32)
    )


@jax.jit
def kernel(triples, ent_emb, rel_emb):
    num_ent, d = ent_emb.shape
    entT = ent_emb.T
    relT = rel_emb.T
    triples = triples.astype(jnp.int32)

    heads, rels = _make_sc_gather()(
        triples[:, 0], triples[:, 1], ent_emb, rel_emb)

    scale = pl.pallas_call(
        _prep_body,
        grid=(),
        in_specs=[
            pl.BlockSpec(memory_space=pltpu.VMEM),
            pl.BlockSpec(memory_space=pltpu.VMEM),
        ],
        out_specs=pl.BlockSpec(memory_space=pltpu.SMEM),
        out_shape=jax.ShapeDtypeStruct((1, 2), jnp.float32),
    )(entT, relT)

    bn = 4096
    grid = (num_ent + bn - 1) // bn
    out = pl.pallas_call(
        _sweep_body,
        grid=(grid,),
        in_specs=[
            pl.BlockSpec(memory_space=pltpu.SMEM),
            pl.BlockSpec((_B, _D), lambda i: (0, 0)),
            pl.BlockSpec((_B, _D), lambda i: (0, 0)),
            pl.BlockSpec((_D, bn), lambda i: (0, i)),
        ],
        out_specs=pl.BlockSpec((_B, bn), lambda i: (0, i)),
        out_shape=jax.ShapeDtypeStruct((_B, num_ent), jnp.float32),
        scratch_shapes=[
            pltpu.VMEM((_B, _D), jnp.float32),
            pltpu.VMEM((_B, _D), jnp.float32),
        ],
    )(scale, heads, rels, entT)
    return out

# --- scband reference (transcript-rebuilt; emitter-appended) ---
"""Pipeline reference for scband-p-rotat-e-3264175145000 (READ-ONLY COPY).

The authoritative reference and input builder live on the scoring server;
editing this copy changes nothing except your own understanding.
"""

import jax, jax.numpy as jnp
import numpy as np

NUM_ENT = 100000
NUM_REL = 500
EMB_DIM = 16
BATCH = 32

def setup_inputs(seed: int = 0) -> dict:
    key = jax.random.key(seed)
    k1, k2, k3 = jax.random.split(key, 3)
    # triples: col0 = head entity, col1 = relation (< 2*num_rel), col2 = tail entity
    triples = jax.random.randint(k1, (BATCH, 3), 0, 1000, dtype=jnp.int64) if jax.config.jax_enable_x64 else jax.random.randint(k1, (BATCH, 3), 0, 1000, dtype=jnp.int32)
    # xavier_normal init: std = sqrt(2 / (fan_in + fan_out))
    std_ent = float(np.sqrt(2.0 / (NUM_ENT + EMB_DIM)))
    std_rel = float(np.sqrt(2.0 / (NUM_REL * 2 + EMB_DIM)))
    ent_emb = jax.random.normal(k2, (NUM_ENT, EMB_DIM), dtype=jnp.float32) * std_ent
    rel_emb = jax.random.normal(k3, (NUM_REL * 2, EMB_DIM), dtype=jnp.float32) * std_rel
    return {"triples": triples, "ent_emb": ent_emb, "rel_emb": rel_emb}

def reference(triples, ent_emb, rel_emb):
    pi = 3.141592653589793
    # In torch these are computed once at init via .item() -> constants
    max_ent_value = jax.lax.stop_gradient(jnp.max(jnp.abs(ent_emb)))
    max_rel_value = jax.lax.stop_gradient(jnp.max(jnp.abs(rel_emb)))
    head = jnp.take(ent_emb, triples[:, 0], axis=0)[:, None, :]   # [B, 1, D]
    rel = jnp.take(rel_emb, triples[:, 1], axis=0)[:, None, :]    # [B, 1, D]
    phase_head = head / (max_ent_value / pi)
    phase_rel = rel / (max_rel_value / pi)
    phase_ent = ent_emb / (max_ent_value / pi)                    # [N, D]
    score = phase_head + phase_rel - phase_ent[None, :, :]        # [B, N, D]
    score = jnp.sin(score)
    score = -jnp.sum(score, axis=2)                               # [B, N]
    return score

if __name__ == "__main__":
    import jax
    _d = setup_inputs()
    print(jax.jit(kernel)(*tuple(_d.values())))

</pallas_src>

<mosaic_0001>
#map = affine_map<(d0, d1) -> (0)>
#map1 = affine_map<(d0, d1) -> (0, 0)>
module attributes {stable_mosaic.version = 14 : i64} {
  func.func @sc_gather(%arg0: i32, %arg1: i32, %arg2: memref<32xi32, #tpu.memory_space<hbm>>, %arg3: memref<32xi32, #tpu.memory_space<hbm>>, %arg4: memref<100000x16xf32, #tpu.memory_space<hbm>>, %arg5: memref<1000x16xf32, #tpu.memory_space<hbm>>, %arg6: memref<32x16xf32, #tpu.memory_space<hbm>>, %arg7: memref<32x16xf32, #tpu.memory_space<hbm>>, %arg8: memref<32xi32, #tpu.memory_space<vmem>>, %arg9: memref<32x16xf32, #tpu.memory_space<vmem>>, %arg10: memref<!tpu.dma_semaphore, #tpu.memory_space<semaphore_mem>>) attributes {dimension_semantics = [#tpu.dimension_semantics<core_parallel>, #tpu.dimension_semantics<subcore_parallel>], iteration_bounds = array<i64: 2, 16>, scalar_prefetch = 0 : i64, scratch_operands = 3 : i64, tpu.core_type = #tpu.core_type<sc_vector_subcore>, window_params = [{transform_indices = #map}, {transform_indices = #map}, {transform_indices = #map1}, {transform_indices = #map1}, {transform_indices = #map1}, {transform_indices = #map1}]} {
    %mul3A = arith.constant 2 : i32
    %mul3A_0 = arith.muli %arg1, %mul3A : i32
    %add3A = arith.addi %mul3A_0, %arg0 : i32
    %eq3A = arith.constant 0 : i32
    %eq3A_1 = arith.cmpi eq, %add3A, %eq3A : i32
    %convert_element_type3A = arith.extui %eq3A_1 : i1 to i32
    %cond3A = arith.constant 0 : i32
    %cond3A_2 = arith.cmpi ne, %convert_element_type3A, %cond3A : i32
    scf.if %cond3A_2 {
      "tpu.region"() ({
        %run_scoped3A = tpu.sem_alloc : memref<!tpu.dma_semaphore, #tpu.memory_space<semaphore_mem>>
        tpu.enqueue_dma source(%arg2 : memref<32xi32, #tpu.memory_space<hbm>>) target(%arg8 : memref<32xi32, #tpu.memory_space<vmem>>) target_semaphore(%run_scoped3A : memref<!tpu.dma_semaphore, #tpu.memory_space<semaphore_mem>>)
        tpu.wait_dma2 semaphore(%run_scoped3A : memref<!tpu.dma_semaphore, #tpu.memory_space<semaphore_mem>>) src(%arg2 : memref<32xi32, #tpu.memory_space<hbm>>) dst(%arg8 : memref<32xi32, #tpu.memory_space<vmem>>)
        tpu.yield
      }) : () -> ()
      %dma_start3A = arith.constant 0 : i32
      %dma_start3A_8 = arith.constant 0 : i32
      %dma_start3A_9 = tpu.memref_slice %arg4[%dma_start3A, %dma_start3A_8] : memref<100000x16xf32, #tpu.memory_space<hbm>> -> memref<100000x16xf32, #tpu.memory_space<hbm>>
      tpu.enqueue_indirect_dma source(%dma_start3A_9 : memref<100000x16xf32, #tpu.memory_space<hbm>>) target(%arg9 : memref<32x16xf32, #tpu.memory_space<vmem>>) offsets(%arg8 : memref<32xi32, #tpu.memory_space<vmem>>) semaphore(%arg10 : memref<!tpu.dma_semaphore, #tpu.memory_space<semaphore_mem>>)
      %dma_wait3A = arith.constant 0 : i32
      %dma_wait3A_10 = arith.constant 0 : i32
      %dma_wait3A_11 = tpu.memref_slice %arg4[%dma_wait3A, %dma_wait3A_10] : memref<100000x16xf32, #tpu.memory_space<hbm>> -> memref<100000x16xf32, #tpu.memory_space<hbm>>
      tpu.wait_indirect_dma semaphore(%arg10 : memref<!tpu.dma_semaphore, #tpu.memory_space<semaphore_mem>>) src(%dma_wait3A_11 : memref<100000x16xf32, #tpu.memory_space<hbm>>) dst(%arg9 : memref<32x16xf32, #tpu.memory_space<vmem>>)
      "tpu.region"() ({
        %run_scoped3A = tpu.sem_alloc : memref<!tpu.dma_semaphore, #tpu.memory_space<semaphore_mem>>
        tpu.enqueue_dma source(%arg9 : memref<32x16xf32, #tpu.memory_space<vmem>>) target(%arg6 : memref<32x16xf32, #tpu.memory_space<hbm>>) target_semaphore(%run_scoped3A : memref<!tpu.dma_semaphore, #tpu.memory_space<semaphore_mem>>)
        tpu.wait_dma2 semaphore(%run_scoped3A : memref<!tpu.dma_semaphore, #tpu.memory_space<semaphore_mem>>) src(%arg9 : memref<32x16xf32, #tpu.memory_space<vmem>>) dst(%arg6 : memref<32x16xf32, #tpu.memory_space<hbm>>)
        tpu.yield
      }) : () -> ()
    } else {
    }
    %eq3A_3 = arith.constant 1 : i32
    %eq3A_4 = arith.cmpi eq, %add3A, %eq3A_3 : i32
    %convert_element_type3A_5 = arith.extui %eq3A_4 : i1 to i32
    %cond3A_6 = arith.constant 0 : i32
    %cond3A_7 = arith.cmpi ne, %convert_element_type3A_5, %cond3A_6 : i32
    scf.if %cond3A_7 {
      "tpu.region"() ({
        %run_scoped3A = tpu.sem_alloc : memref<!tpu.dma_semaphore, #tpu.memory_space<semaphore_mem>>
        tpu.enqueue_dma source(%arg3 : memref<32xi32, #tpu.memory_space<hbm>>) target(%arg8 : memref<32xi32, #tpu.memory_space<vmem>>) target_semaphore(%run_scoped3A : memref<!tpu.dma_semaphore, #tpu.memory_space<semaphore_mem>>)
        tpu.wait_dma2 semaphore(%run_scoped3A : memref<!tpu.dma_semaphore, #tpu.memory_space<semaphore_mem>>) src(%arg3 : memref<32xi32, #tpu.memory_space<hbm>>) dst(%arg8 : memref<32xi32, #tpu.memory_space<vmem>>)
        tpu.yield
      }) : () -> ()
      %dma_start3A = arith.constant 0 : i32
      %dma_start3A_8 = arith.constant 0 : i32
      %dma_start3A_9 = tpu.memref_slice %arg5[%dma_start3A, %dma_start3A_8] : memref<1000x16xf32, #tpu.memory_space<hbm>> -> memref<1000x16xf32, #tpu.memory_space<hbm>>
      tpu.enqueue_indirect_dma source(%dma_start3A_9 : memref<1000x16xf32, #tpu.memory_space<hbm>>) target(%arg9 : memref<32x16xf32, #tpu.memory_space<vmem>>) offsets(%arg8 : memref<32xi32, #tpu.memory_space<vmem>>) semaphore(%arg10 : memref<!tpu.dma_semaphore, #tpu.memory_space<semaphore_mem>>)
      %dma_wait3A = arith.constant 0 : i32
      %dma_wait3A_10 = arith.constant 0 : i32
      %dma_wait3A_11 = tpu.memref_slice %arg5[%dma_wait3A, %dma_wait3A_10] : memref<1000x16xf32, #tpu.memory_space<hbm>> -> memref<1000x16xf32, #tpu.memory_space<hbm>>
      tpu.wait_indirect_dma semaphore(%arg10 : memref<!tpu.dma_semaphore, #tpu.memory_space<semaphore_mem>>) src(%dma_wait3A_11 : memref<1000x16xf32, #tpu.memory_space<hbm>>) dst(%arg9 : memref<32x16xf32, #tpu.memory_space<vmem>>)
      "tpu.region"() ({
        %run_scoped3A = tpu.sem_alloc : memref<!tpu.dma_semaphore, #tpu.memory_space<semaphore_mem>>
        tpu.enqueue_dma source(%arg9 : memref<32x16xf32, #tpu.memory_space<vmem>>) target(%arg7 : memref<32x16xf32, #tpu.memory_space<hbm>>) target_semaphore(%run_scoped3A : memref<!tpu.dma_semaphore, #tpu.memory_space<semaphore_mem>>)
        tpu.wait_dma2 semaphore(%run_scoped3A : memref<!tpu.dma_semaphore, #tpu.memory_space<semaphore_mem>>) src(%arg9 : memref<32x16xf32, #tpu.memory_space<vmem>>) dst(%arg7 : memref<32x16xf32, #tpu.memory_space<hbm>>)
        tpu.yield
      }) : () -> ()
    } else {
    }
    return
  }
}

module attributes {stable_mosaic.version = 14 : i64} {
  func.func @_prep_body(%arg0: memref<16x100000xf32, #tpu.memory_space<vmem>>, %arg1: memref<16x1000xf32, #tpu.memory_space<vmem>>, %arg2: memref<1x2xf32, #tpu.memory_space<smem>>) attributes {dimension_semantics = [], scalar_prefetch = 0 : i64, scratch_operands = 0 : i64, tpu.core_type = #tpu.core_type<tc>} {
    %get3A = arith.constant 0 : index
    %get3A_0 = arith.constant 0 : index
    %get3A_1 = vector.load %arg0[%get3A, %get3A_0] : memref<16x100000xf32, #tpu.memory_space<vmem>>, vector<16x100000xf32>
    %abs3A = math.absf %get3A_1 : vector<16x100000xf32>
    %reduce_max3A = vector.shape_cast %abs3A : vector<16x100000xf32> to vector<1x16x100000xf32>
    %reduce_max3A_2 = arith.constant dense<0xFF800000> : vector<1xf32>
    %reduce_max3A_3 = vector.multi_reduction <maximumf>, %reduce_max3A, %reduce_max3A_2 [1, 2] : vector<1x16x100000xf32> to vector<1xf32>
    %reduce_max3A_4 = vector.shape_cast %reduce_max3A_3 : vector<1xf32> to vector<1x1x1xf32>
    %reduce_max3A_5 = vector.extract %reduce_max3A_4[0, 0, 0] : f32 from vector<1x1x1xf32>
    %div3A = arith.constant 3.14159274 : f32
    %div3A_6 = arith.divf %div3A, %reduce_max3A_5 : f32
    %swap3A = arith.constant 0 : index
    %swap3A_7 = arith.constant 0 : index
    %swap3A_8 = memref.load %arg2[%swap3A, %swap3A_7] : memref<1x2xf32, #tpu.memory_space<smem>>
    memref.store %div3A_6, %arg2[%swap3A, %swap3A_7] : memref<1x2xf32, #tpu.memory_space<smem>>
    %get3A_9 = arith.constant 0 : index
    %get3A_10 = arith.constant 0 : index
    %get3A_11 = vector.load %arg1[%get3A_9, %get3A_10] : memref<16x1000xf32, #tpu.memory_space<vmem>>, vector<16x1000xf32>
    %abs3A_12 = math.absf %get3A_11 : vector<16x1000xf32>
    %reduce_max3A_13 = vector.shape_cast %abs3A_12 : vector<16x1000xf32> to vector<1x16x1000xf32>
    %reduce_max3A_14 = arith.constant dense<0xFF800000> : vector<1xf32>
    %reduce_max3A_15 = vector.multi_reduction <maximumf>, %reduce_max3A_13, %reduce_max3A_14 [1, 2] : vector<1x16x1000xf32> to vector<1xf32>
    %reduce_max3A_16 = vector.shape_cast %reduce_max3A_15 : vector<1xf32> to vector<1x1x1xf32>
    %reduce_max3A_17 = vector.extract %reduce_max3A_16[0, 0, 0] : f32 from vector<1x1x1xf32>
    %div3A_18 = arith.constant 3.14159274 : f32
    %div3A_19 = arith.divf %div3A_18, %reduce_max3A_17 : f32
    %swap3A_20 = arith.constant 0 : index
    %swap3A_21 = arith.constant 1 : index
    %swap3A_22 = memref.load %arg2[%swap3A_20, %swap3A_21] : memref<1x2xf32, #tpu.memory_space<smem>>
    memref.store %div3A_19, %arg2[%swap3A_20, %swap3A_21] : memref<1x2xf32, #tpu.memory_space<smem>>
    return
  }
}

module attributes {stable_mosaic.version = 14 : i64} {
  func.func @_sweep_body(%arg0: i32, %arg1: memref<1x2xf32, #tpu.memory_space<smem>>, %arg2: memref<32x16xf32, #tpu.memory_space<vmem>>, %arg3: memref<32x16xf32, #tpu.memory_space<vmem>>, %arg4: memref<16x4096xf32, #tpu.memory_space<vmem>>, %arg5: memref<32x4096xf32, #tpu.memory_space<vmem>>, %arg6: memref<32x16xf32, #tpu.memory_space<vmem>>, %arg7: memref<32x16xf32, #tpu.memory_space<vmem>>) attributes {dimension_semantics = [#tpu.dimension_semantics<arbitrary>], iteration_bounds = array<i64: 25>, scalar_prefetch = 0 : i64, scratch_operands = 2 : i64, tpu.core_type = #tpu.core_type<tc>, window_params = [{transform_indices = @transform_0, window_bounds = array<i64: 1, 2>}, {pipeline_mode = #tpu.pipeline_mode<synchronous>, transform_indices = @transform_1, window_bounds = array<i64: 32, 16>}, {pipeline_mode = #tpu.pipeline_mode<synchronous>, transform_indices = @transform_2, window_bounds = array<i64: 32, 16>}, {transform_indices = @transform_3, window_bounds = array<i64: 16, 4096>}, {transform_indices = @transform_4, window_bounds = array<i64: 32, 4096>}]} {
    %eq3A = arith.constant 0 : i32
    %eq3A_0 = arith.cmpi eq, %arg0, %eq3A : i32
    %convert_element_type3A = arith.extui %eq3A_0 : i1 to i32
    %cond3A = arith.constant 0 : i32
    %cond3A_1 = arith.cmpi ne, %convert_element_type3A, %cond3A : i32
    scf.if %cond3A_1 {
      %get3A_64 = arith.constant 0 : index
      %get3A_65 = arith.constant 0 : index
      %get3A_66 = vector.load %arg2[%get3A_64, %get3A_65] : memref<32x16xf32, #tpu.memory_space<vmem>>, vector<32x16xf32>
      %get3A_67 = arith.constant 0 : index
      %get3A_68 = arith.constant 0 : index
      %get3A_69 = memref.load %arg1[%get3A_67, %get3A_68] : memref<1x2xf32, #tpu.memory_space<smem>>
      %mul3A_70 = vector.broadcast %get3A_69 : f32 to vector<32x16xf32>
      %mul3A_71 = arith.mulf %get3A_66, %mul3A_70 : vector<32x16xf32>
      %get3A_72 = arith.constant 0 : index
      %get3A_73 = arith.constant 0 : index
      %get3A_74 = vector.load %arg3[%get3A_72, %get3A_73] : memref<32x16xf32, #tpu.memory_space<vmem>>, vector<32x16xf32>
      %get3A_75 = arith.constant 0 : index
      %get3A_76 = arith.constant 1 : index
      %get3A_77 = memref.load %arg1[%get3A_75, %get3A_76] : memref<1x2xf32, #tpu.memory_space<smem>>
      %mul3A_78 = vector.broadcast %get3A_77 : f32 to vector<32x16xf32>
      %mul3A_79 = arith.mulf %get3A_74, %mul3A_78 : vector<32x16xf32>
      %add3A_80 = arith.addf %mul3A_71, %mul3A_79 : vector<32x16xf32>
      %sin3A = math.sin %add3A_80 : vector<32x16xf32>
      %swap3A_81 = arith.constant 0 : index
      %swap3A_82 = arith.constant 0 : index
      %swap3A_83 = vector.load %arg6[%swap3A_81, %swap3A_82] : memref<32x16xf32, #tpu.memory_space<vmem>>, vector<32x16xf32>
      tpu.vector_store %arg6[%swap3A_81, %swap3A_82], %sin3A {strides = array<i32>} : memref<32x16xf32, #tpu.memory_space<vmem>>, vector<32x16xf32>,
      %cos3A = math.cos %add3A_80 : vector<32x16xf32>
      %swap3A_84 = arith.constant 0 : index
      %swap3A_85 = arith.constant 0 : index
      %swap3A_86 = vector.load %arg7[%swap3A_84, %swap3A_85] : memref<32x16xf32, #tpu.memory_space<vmem>>, vector<32x16xf32>
      tpu.vector_store %arg7[%swap3A_84, %swap3A_85], %cos3A {strides = array<i32>} : memref<32x16xf32, #tpu.memory_space<vmem>>, vector<32x16xf32>,
    } else {
    }
    %get3A = arith.constant 0 : index
    %get3A_2 = arith.constant 0 : index
    %get3A_3 = vector.load %arg4[%get3A, %get3A_2] : memref<16x4096xf32, #tpu.memory_space<vmem>>, vector<16x4096xf32>
    %get3A_4 = arith.constant 0 : index
    %get3A_5 = arith.constant 0 : index
    %get3A_6 = memref.load %arg1[%get3A_4, %get3A_5] : memref<1x2xf32, #tpu.memory_space<smem>>
    %mul3A = vector.broadcast %get3A_6 : f32 to vector<16x4096xf32>
    %mul3A_7 = arith.mulf %get3A_3, %mul3A : vector<16x4096xf32>
    %mul3A_8 = arith.mulf %mul3A_7, %mul3A_7 : vector<16x4096xf32>
    %mul3A_9 = arith.constant -2.01833554E-8 : f32
    %mul3A_10 = vector.broadcast %mul3A_9 : f32 to vector<16x4096xf32>
    %mul3A_11 = arith.mulf %mul3A_10, %mul3A_8 : vector<16x4096xf32>
    %add3A = arith.constant 2.69498105E-6 : f32
    %add3A_12 = vector.broadcast %add3A : f32 to vector<16x4096xf32>
    %add3A_13 = arith.addf %mul3A_11, %add3A_12 : vector<16x4096xf32>
    %mul3A_14 = arith.mulf %add3A_13, %mul3A_8 : vector<16x4096xf32>
    %add3A_15 = arith.constant -1.98040943E-4 : f32
    %add3A_16 = vector.broadcast %add3A_15 : f32 to vector<16x4096xf32>
    %add3A_17 = arith.addf %mul3A_14, %add3A_16 : vector<16x4096xf32>
    %mul3A_18 = arith.mulf %add3A_17, %mul3A_8 : vector<16x4096xf32>
    %add3A_19 = arith.constant 0.00833221338 : f32
    %add3A_20 = vector.broadcast %add3A_19 : f32 to vector<16x4096xf32>
    %add3A_21 = arith.addf %mul3A_18, %add3A_20 : vector<16x4096xf32>
    %mul3A_22 = arith.mulf %add3A_21, %mul3A_8 : vector<16x4096xf32>
    %add3A_23 = arith.constant -0.166665211 : f32
    %add3A_24 = vector.broadcast %add3A_23 : f32 to vector<16x4096xf32>
    %add3A_25 = arith.addf %mul3A_22, %add3A_24 : vector<16x4096xf32>
    %mul3A_26 = arith.mulf %add3A_25, %mul3A_8 : vector<16x4096xf32>
    %add3A_27 = arith.constant 0.999999463 : f32
    %add3A_28 = vector.broadcast %add3A_27 : f32 to vector<16x4096xf32>
    %add3A_29 = arith.addf %mul3A_26, %add3A_28 : vector<16x4096xf32>
    %mul3A_30 = arith.mulf %add3A_29, %mul3A_7 : vector<16x4096xf32>
    %mul3A_31 = arith.constant -2.17420848E-7 : f32
    %mul3A_32 = vector.broadcast %mul3A_31 : f32 to vector<16x4096xf32>
    %mul3A_33 = arith.mulf %mul3A_32, %mul3A_8 : vector<16x4096xf32>
    %add3A_34 = arith.constant 2.41475609E-5 : f32
    %add3A_35 = vector.broadcast %add3A_34 : f32 to vector<16x4096xf32>
    %add3A_36 = arith.addf %mul3A_33, %add3A_35 : vector<16x4096xf32>
    %mul3A_37 = arith.mulf %add3A_36, %mul3A_8 : vector<16x4096xf32>
    %add3A_38 = arith.constant -0.00138541614 : f32
    %add3A_39 = vector.broadcast %add3A_38 : f32 to vector<16x4096xf32>
    %add3A_40 = arith.addf %mul3A_37, %add3A_39 : vector<16x4096xf32>
    %mul3A_41 = arith.mulf %add3A_40, %mul3A_8 : vector<16x4096xf32>
    %add3A_42 = arith.constant 0.0416582078 : f32
    %add3A_43 = vector.broadcast %add3A_42 : f32 to vector<16x4096xf32>
    %add3A_44 = arith.addf %mul3A_41, %add3A_43 : vector<16x4096xf32>
    %mul3A_45 = arith.mulf %add3A_44, %mul3A_8 : vector<16x4096xf32>
    %add3A_46 = arith.constant -0.499992371 : f32
    %add3A_47 = vector.broadcast %add3A_46 : f32 to vector<16x4096xf32>
    %add3A_48 = arith.addf %mul3A_45, %add3A_47 : vector<16x4096xf32>
    %mul3A_49 = arith.mulf %add3A_48, %mul3A_8 : vector<16x4096xf32>
    %add3A_50 = arith.constant 0.999998867 : f32
    %add3A_51 = vector.broadcast %add3A_50 : f32 to vector<16x4096xf32>
    %add3A_52 = arith.addf %mul3A_49, %add3A_51 : vector<16x4096xf32>
    %get3A_53 = arith.constant 0 : index
    %get3A_54 = arith.constant 0 : index
    %get3A_55 = vector.load %arg7[%get3A_53, %get3A_54] : memref<32x16xf32, #tpu.memory_space<vmem>>, vector<32x16xf32>
    %dot_general3A = arith.constant dense<0.000000e+00> : vector<32x4096xf32>
    %dot_general3A_56 = tpu.matmul %get3A_55, %mul3A_30, %dot_general3A {dimension_numbers = #tpu.dot_dimension_numbers<[1], [0], [0], [1], [0, 0, 1, 1], [], []>, transpose_lhs_hint = false} : vector<32x16xf32>, vector<16x4096xf32>, vector<32x4096xf32> -> vector<32x4096xf32>
    %get3A_57 = arith.constant 0 : index
    %get3A_58 = arith.constant 0 : index
    %get3A_59 = vector.load %arg6[%get3A_57, %get3A_58] : memref<32x16xf32, #tpu.memory_space<vmem>>, vector<32x16xf32>
    %dot_general3A_60 = arith.constant dense<0.000000e+00> : vector<32x4096xf32>
    %dot_general3A_61 = tpu.matmul %get3A_59, %add3A_52, %dot_general3A_60 {dimension_numbers = #tpu.dot_dimension_numbers<[1], [0], [0], [1], [0, 0, 1, 1], [], []>, transpose_lhs_hint = false} : vector<32x16xf32>, vector<16x4096xf32>, vector<32x4096xf32> -> vector<32x4096xf32>
    %sub3A = arith.subf %dot_general3A_56, %dot_general3A_61 : vector<32x4096xf32>
    %swap3A = arith.constant 0 : index
    %swap3A_62 = arith.constant 0 : index
    %swap3A_63 = vector.load %arg5[%swap3A, %swap3A_62] : memref<32x4096xf32, #tpu.memory_space<vmem>>, vector<32x4096xf32>
    tpu.vector_store %arg5[%swap3A, %swap3A_62], %sub3A {strides = array<i32>} : memref<32x4096xf32, #tpu.memory_space<vmem>>, vector<32x4096xf32>,
    return
  }
  func.func @transform_0(%arg0: i32) -> (i32, i32) {
    %c0_i32 = arith.constant 0 : i32
    %c0_i32_0 = arith.constant 0 : i32
    %c0_i32_1 = arith.constant 0 : i32
    return %c0_i32, %c0_i32_0 : i32, i32
  }
  func.func @transform_1(%arg0: i32) -> (i32, i32) {
    %c0_i32 = arith.constant 0 : i32
    %c0_i32_0 = arith.constant 0 : i32
    %c0_i32_1 = arith.constant 0 : i32
    return %c0_i32, %c0_i32_0 : i32, i32
  }
  func.func @transform_2(%arg0: i32) -> (i32, i32) {
    %c0_i32 = arith.constant 0 : i32
    %c0_i32_0 = arith.constant 0 : i32
    %c0_i32_1 = arith.constant 0 : i32
    return %c0_i32, %c0_i32_0 : i32, i32
  }
  func.func @transform_3(%arg0: i32) -> (i32, i32) {
    %c0_i32 = arith.constant 0 : i32
    %c0_i32_0 = arith.constant 0 : i32
    return %c0_i32, %arg0 : i32, i32
  }
  func.func @transform_4(%arg0: i32) -> (i32, i32) {
    %c0_i32 = arith.constant 0 : i32
    %c0_i32_0 = arith.constant 0 : i32
    return %c0_i32, %arg0 : i32, i32
  }
}

</mosaic_0001>

<sc_bundles>
// kernel: kernel.5.cloned.1.call-start
scs
__scs_entry_jumppad:
0x0: {  	(pc) =	sbr.rel $0x88, $3  }
0x1: {  	(tag) =	ssettag $0x0;
	lr =	simm.s32 $0x1  }
0x2: {  	[smem:$0x3F9E] =	sst lr;
	_ =	strace $0xD0000000  }
0x3: {  	_ = 	snop  }
0x4: {  	_ = 	snop  }
0x5: {  	_ = 	snop  }
0x6: {  	_ = 	snop  }
0x7: {  	_ = 	snop  }
__scs_overlays_trampoline_lowered:
0x8: {  	[smem:$0x3FAD] =	sst s0  }
0x9: {  	[smem:$0x3FAE] =	sst s1  }
0xa: {  	[smem:$0x3FAF] =	sst s2  }
0xb: {  	[smem:$0x3FB0] =	sst s3  }
0xc: {  	[smem:$0x3FB1] =	sst s4  }
0xd: {  	[smem:$0x3FB2] =	sst s5  }
0xe: {  	[smem:$0x3FB3] =	sst s6  }
0xf: {  	[smem:$0x3FB4] =	sst s7  }
0x10: {  	[smem:$0x3FB5] =	sst s8  }
0x11: {  	[smem:$0x3FB6] =	sst s9;
	s0 =	simm.s32 @!p0 $0x0  }
0x12: {  	s1 =	sld [smem:$0x3F9C];
	s0 =	simm.s32 @p0 $0x1  }
0x13: {  	[smem:$0x3FB7] =	sst s0;
	s0 =	simm.s32 @!p1 $0x0  }
0x14: {  	s2 =	sld [smem:$0x3F9B];
	s0 =	simm.s32 @p1 $0x1  }
0x15: {  	[smem:$0x3FB8] =	sst s0;
	s0 =	simm.s32 @!p2 $0x0  }
0x16: {  	s3 =	sld [smem:$0x3FDB];
	s0 =	simm.s32 @p2 $0x1  }
0x17: {  	s4 =	simm.s32 $0x1BF5;
	[smem:$0x3FBA] =	sst s0  }
0x18: {  	s0 =	sld [smem:$0x3F9D];
	_ =	swait.ge [sflag:s4], $0x0  }
0x19: {  	s7 =	sld [smem:$0x3F9E]  }
0x1a: {  	s8 =	sadd.s32 $0xFFFFE003, lr  }
0x1b: {  	s9 =	sadd.s32 $0xFFFFFEF7, lr;
	s5 =	simm.s32 $0xFFFFFFFF;
	p2 =	slt.u32 s8, $0xFFFFF086  }
0x1c: {  	p1 =	slt.u32 s9, $0xF7A;
	s5 =	simm.s32 @!p2 $0x0  }
0x1d: {  	s5 =	simm.s32 @p1 $0x1;
	p0 =	seq.s32 s7, s2  }
0x1e: {  	s7 =	smul.u32 @!p0 $0xF7A, s2;
	p2 =	seq.s32 @!p0 s5, $0x0  }
0x1f: {  	s9 =	smul.u32 $0xF7A, s1;
	s8 =	simm.s32 @!p0 $0x1BF5;
	p2 =	por !p2, p0  }
0x20: {  	[sflag:s8] =	ssyncset.s32 @!p0 $0xFFFFF086;
	s6 =	sadd.s32 @!p0 s3, s7;
	s7 =	simm.s32 @!p0 $0x108  }
0x21: {  	s3 =	sadd.s32 s3, s9;
	s6 =	sadd.s32 @!p0 $0x88, s6;
	s7 =	simm.s32 @p2 $0x1082  }
0x22: {  	[simem:s7], [sflag:s8] =	dma.local @!p0 [hbm:s6], $0xF7A  }
0x23: {  	s9 =	sor.u32 $0xD0000000, s2;
	s6 =	simm.s32 $0x108;
	_ =	swait.ge @!p0 [sflag:s8], $0x0  }
0x24: {  	s3 =	sadd.s32 $0x88, s3;
	s6 =	simm.s32 @!p1 $0x1082;
	[sflag:s4] =	ssyncset.s32 $0xFFFFF086  }
0x25: {  	[simem:s6], [sflag:s4] =	dma.local [hbm:s3], $0xF7A  }
0x26: {  	[smem:$0x3F9E] =	sst s1;
	(tag) =	ssettag s2;
	_ =	strace s9  }
0x27: {  	s1 =	sld [smem:$0x3FAE]  }
0x28: {  	s2 =	sld [smem:$0x3FAF]  }
0x29: {  	s4 =	sld [smem:$0x3FB1]  }
0x2a: {  	p0 =	seq.s32 s5, $0x0;
	s5 =	sld [smem:$0x3FB2]  }
0x2b: {  	s6 =	sld [smem:$0x3FB3]  }
0x2c: {  	s7 =	sld [smem:$0x3FB4]  }
0x2d: {  	s3 =	simm.s32 $0x108;
	s8 =	sld [smem:$0x3FB5]  }
0x2e: {  	s3 =	simm.s32 @!p0 $0x1082;
	s9 =	sld [smem:$0x3FB6]  }
0x2f: {  	lr =	sadd.s32 s0, s3;
	s0 =	sld [smem:$0x3FAD]  }
0x30: {  	s3 =	sld [smem:$0x3FB0]  }
0x31: {  	[smem:$0x3FB9] =	sst s10  }
0x32: {  	s10 =	sld [smem:$0x3FB7];
	_ =	sdelay $0x3  }
0x33: {  	p0 =	seq.s32 s10, $0x1;
	s10 =	sld [smem:$0x3FB9];
	_ =	sdelay $0x3  }
0x34: {  	[smem:$0x3FB9] =	sst s10  }
0x35: {  	s10 =	sld [smem:$0x3FB8];
	_ =	sdelay $0x3  }
0x36: {  	p1 =	seq.s32 s10, $0x1;
	s10 =	sld [smem:$0x3FB9];
	_ =	sdelay $0x3  }
0x37: {  	[smem:$0x3FB9] =	sst s10  }
0x38: {  	s10 =	sld [smem:$0x3FBA]  }
0x39: {  	_ = 	snop;
	(pc) =	sbr.ind lr, $3  }
0x3a: {  	_ = 	snop  }
0x3b: {  	_ = 	snop  }
0x3c: {  	p2 =	seq.s32 s10, $0x1;
	s10 =	sld [smem:$0x3FB9]  }
0x3d: {  	_ =	shalt  }
0x3e: {  	_ =	shalt  }
0x3f: {  	_ =	shalt  }
0x40: {  	_ =	shalt  }
0x41: {  	_ =	shalt  }
0x42: {  	_ =	shalt  }
0x43: {  	_ =	shalt  }
0x44: {  	_ =	shalt  }
0x45: {  	_ =	shalt  }
0x46: {  	_ =	shalt  }
0x47: {  	_ =	shalt  }
0x48: {  	_ =	shalt  }
0x49: {  	_ =	shalt  }
0x4a: {  	_ =	shalt  }
0x4b: {  	_ =	shalt  }
0x4c: {  	_ =	shalt  }
0x4d: {  	_ =	shalt  }
0x4e: {  	_ =	shalt  }
0x4f: {  	_ =	shalt  }
0x50: {  	_ =	shalt  }
0x51: {  	_ =	shalt  }
0x52: {  	_ =	shalt  }
0x53: {  	_ =	shalt  }
0x54: {  	_ =	shalt  }
0x55: {  	_ =	shalt  }
0x56: {  	_ =	shalt  }
0x57: {  	_ =	shalt  }
0x58: {  	_ =	shalt  }
0x59: {  	_ =	shalt  }
0x5a: {  	_ =	shalt  }
0x5b: {  	_ =	shalt  }
0x5c: {  	_ =	shalt  }
0x5d: {  	_ =	shalt  }
0x5e: {  	_ =	shalt  }
0x5f: {  	_ =	shalt  }
0x60: {  	_ =	shalt  }
0x61: {  	_ =	shalt  }
0x62: {  	_ =	shalt  }
0x63: {  	_ =	shalt  }
0x64: {  	_ =	shalt  }
0x65: {  	_ =	shalt  }
0x66: {  	_ =	shalt  }
0x67: {  	_ =	shalt  }
0x68: {  	_ =	shalt  }
0x69: {  	_ =	shalt  }
0x6a: {  	_ =	shalt  }
0x6b: {  	_ =	shalt  }
0x6c: {  	_ =	shalt  }
0x6d: {  	_ =	shalt  }
0x6e: {  	_ =	shalt  }
0x6f: {  	_ =	shalt  }
0x70: {  	_ =	shalt  }
0x71: {  	_ =	shalt  }
0x72: {  	_ =	shalt  }
0x73: {  	_ =	shalt  }
0x74: {  	_ =	shalt  }
0x75: {  	_ =	shalt  }
0x76: {  	_ =	shalt  }
0x77: {  	_ =	shalt  }
0x78: {  	_ =	shalt  }
0x79: {  	_ =	shalt  }
0x7a: {  	_ =	shalt  }
0x7b: {  	_ =	shalt  }
0x7c: {  	_ =	shalt  }
0x7d: {  	_ =	shalt  }
0x7e: {  	_ =	shalt  }
0x7f: {  	_ =	shalt  }
0x80: {  	_ =	shalt  }
0x81: {  	_ =	shalt  }
0x82: {  	_ =	shalt  }
0x83: {  	_ =	shalt  }
0x84: {  	_ =	shalt  }
0x85: {  	_ =	shalt  }
0x86: {  	_ =	shalt  }
0x87: {  	_ =	shalt  }
.Lfunc_end0:
.L_simem_size_0:
called_computation_lowered:
.L_overlay_start_0:
0x88: {  	s2 =	sld [smem:$0x3FD9]  }
0x89: {  	s3 =	sld [smem:$0x3FFE];
	_ =	sdelay $0x1  }
0x8a: {  	s1 =	srdreg.scid  }
0x8b: {  	s0 =	sand.u32 $0x1, s1  }
0x8c: {  	s17 =	sshll.u32 s0, $0xA;
	s2 =	sadd.s32 s3, s2  }
0x8d: {  	s2 =	sadd.s32 s2, s17  }
0x8e: {  	[smem:$0x3FC5] =	sst s2  }
0x8f: {  	_ = 	snop  }
0x90: {  	s2 =	sld [smem:$0x3FD0];
	(tm) =	ssettm $0x1  }
0x91: {  	s18 =	sld [smem:$0x3FFB];
	_ =	sdelay $0x3  }
0x92: {  	_ =	strace s18  }
0x93: {  	s3 =	sld [smem:$0x3FFC];
	_ =	sdelay $0x3  }
0x94: {  	_ =	strace s3  }
0x95: {  	s3 =	sld [smem:$0x3FFD];
	_ =	sdelay $0x3  }
0x96: {  	_ =	strace s3  }
0x97: {  	_ =	strace $0x8FFFFFFF  }
0x98: {  	s19 =	sld [smem:$0x3FDB];
	_ =	sdelay $0x1  }
0x99: {  	s4 =	simm.s32 $_scs_section_size  }
0x9a: {  	s5 =	simm.s32 $_size__tile_overlayer_lowered;
	s6 =	simm.s32 $_tile_overlayer_lowered  }
0x9b: {  	s22 =	simm.s32 $0x1BFF;
	s21 =	sshll.u32 s6, $0x1;
	s3 =	sadd.s32 s4, s19  }
0x9c: {  	s7 =	simm.s32 $0x0;
	s20 =	sshll.u32 s5, $0x1;
	s5 =	sadd.s32 s21, s3  }
0x9d: {  	[timem:s7], [sflag:s22] =	dma.local [hbm:s5], s20  }
0x9e: {  	_ =	swait.ge [sflag:s22], s20  }
0x9f: {  	s4 =	ssub.s32 $0x0, s20;
	[sflag:s22] =	ssyncset.done $0x0  }
0xa0: {  	[sflag:s22] =	ssyncadd.s32 s4;
	_ =	sdelay $0x1  }
0xa1: {  	s23 =	simm.s32 $0x1B8B  }
0xa2: {  	_ =	swait.ge [sflag:s23], $0x1  }
0xa3: {  	[sflag:s23] =	ssyncset.done $0x0  }
0xa4: {  	s25 =	simm.s32 $0x1B8E;
	s24 =	sld [smem:$0x3FFE];
	[sflag:s23] =	ssyncadd.s32 $0xFFFFFFFF  }
0xa5: {  	s26 =	simm.s32 $execute0_lowered;
	[smem:$0x3FD2] =	sst s25  }
0xa6: {  	s5 =	sshll.u32 s26, $0x1;
	_ =	strace $0x80000046;
	[dreg:$0x1] =	wrdreg $0xFFFFFFFF  }
0xa7: {  	s28 =	simm.s32 $_size_execute0_lowered;
	s3 =	sadd.s32 s3, s5;
	[dreg:$0x0] =	wrdreg $0x0  }
0xa8: {  	s5 =	sshll.u32 s28, $0x1;
	[dreg:$0x2] =	wrdreg s3  }
0xa9: {  	[dreg:$0x3] =	wrdreg s5  }
0xaa: {  	[dreg:$0x4] =	wrdreg $0xC0  }
0xab: {  	_ =	task [dreg:s7], $0x5FFFF  }
0xac: {  	[dreg:$0x1] =	wrdreg $0xFFFFFFFF  }
0xad: {  	[dreg:$0x0] =	wrdreg $0x60  }
0xae: {  	[dreg:$0x2] =	wrdreg s24  }
0xaf: {  	[dreg:$0x3] =	wrdreg s2  }
0xb0: {  	[dreg:$0x4] =	wrdreg $0x9  }
0xb1: {  	_ =	task.clear_ibuf [dreg:s7], $0x5FFFF;
	_ =	strace $0x90000046  }
0xb2: {  	s29 =	simm.s32 $0x9;
	_ =	strace $0x80000048  }
0xb3: {  	_ =	swait.ge [sflag:s29], $0x1  }
0xb4: {  	[sflag:s29] =	ssyncadd.s32 $0xFFFFFFFF  }
0xb5: {  	_ =	strace $0x90000048  }
0xb6: {  	_ =	sfence  }
0xb7: {  	s30 =	sld [smem:$0x0];
	_ =	sdelay $0x2  }
0xb8: {  	s31 =	sshll.u32 s1, $0xD;
	s1 =	sshrl.u32 s1, $0x2  }
0xb9: {  	s3 =	sand.u32 $0x4000, s31;
	s1 =	sadd.s32 s1, s30  }
0xba: {  	s0 =	sor.u32 s3, s0;
	s1 =	sshll.u32 s1, $0x11  }
0xbb: {  	s0 =	sor.u32 s1, s0  }
0xbc: {  	s0 =	sadd.s32 $0x8F2B, s0  }
0xbd: {  	[sflag:s0] =	ssyncadd.remote.s32 $0x1  }
0xbe: {  	_ =	sfence.sel $0xFFFF  }
0xbf: {  	[dreg:$0x0] =	wrdreg $0xFFFFFFFF;
	(pc) =	sbr.abs _section_cstart, $3  }
0xc0: {  	[dreg:$0x1] =	wrdreg $0xFFFFFFFF  }
0xc1: {  	_ =	task.clear_ibuf [dreg:s7], $0x2FFFF;
	_ =	strace $0x9FFFFFFF  }
0xc2: {  	(tm) =	ssettm $0x7FFFFFFF  }
0xc3: {  	_ =	shalt  }
tec
execute0_lowered:
.L_overlay_start_1:
0x0: {  	(tag) =	ssettag $0x1  }
0x1: {  	s7 =	rddreg [dreg:$0x0]  }
0x2: {  	s1 =	rddreg [dreg:$0x1]  }
0x3: {  	s0 =	rddreg [dreg:$0x2];
	s2 =	srdreg.scid  }
0x4: {  	_ =	strace $0x80000047;
	s11 =	simm.s32 $0x20;
	s12 =	simm.s32 $0x1  }
0x5: {  	s8 =	sand.u32 $0x1, s2;
	s3 =	sadd.s32 $0x1600, s7;
	s4 =	sadd.s32 $0x1400, s7  }
.Ltmp0:
0x6: {  	s5 =	sadd.s32 $0x1800, s7;
	s2 =	stileid.u32;
	(pc) =	sbr.rel .LBB2_1-.Ltmp0, $4  }
0x7: {  	s6 =	sadd.s32 $0x2200, s7;
	s9 =	ssub.s32 $0x2, s8;
	s31 =	sshll.u32 s2, $0x1  }
0x8: {  	s7 =	sadd.s32 $0x2000, s7;
	s10 =	sshrl.u32 s9, $0x1;
	s13 =	sor.u32 s8, s31  }
0x9: {  	s9 =	ssub.s32 s9, s10;
	p0 =	seq.s32 s13, $0x0;
	s10 =	simm.s32 $0x2  }
0xa: {  	p1 =	sne.s32 s13, $0x1;
	s8 =	smax.u32 s9, $0x1;
	s9 =	simm.s32 $0x0  }
.LBB2_4:
0xb: {  	[tilespmem:s9], [sflag:$0x2] =	stream.linear.gather [hbm4b:s15+s9], $0x20, $0x38;
	[tilespmem:$0x220] =	vst v63  }
0xc: {  	_ =	swait.ge [sflag:s10], $0x20  }
0xd: {  	[sflag:s10] =	ssyncset.done $0x0  }
0xe: {  	[sflag:s10] =	ssyncadd.s32 $0xFFFFFFE0  }
0xf: {  	[tilespmem:s11], [sflag:$0x1] =	stream.indirect.gather [hbm4b:s14+s11], $0x10, s9, s11, $0xb8;
	[tilespmem:$0x220] =	vst v63  }
0x10: {  	_ =	swait.ge [sflag:s12], $0x200  }
0x11: {  	[sflag:s12] =	ssyncset.done $0x0  }
0x12: {  	[sflag:s12] =	ssyncadd.s32 $0xFFFFFE00  }
0x13: {  	[hbm4b:s13+s9] =	stream.linear.scatter [tilespmem:s11], [sflag:$0x2], $0x200, $0x38;
	[tilespmem:$0x220] =	vst v63  }
0x14: {  	_ =	swait.ge [sflag:s10], $0x200  }
0x15: {  	[sflag:s10] =	ssyncset.done $0x0  }
0x16: {  	[sflag:s10] =	ssyncadd.s32 $0xFFFFFE00  }
.LBB2_5:
0x17: {  	s8 =	sadd.s32 $0xFFFFFFFF, s8  }
0x18: {  	p2 =	sne.s32 s8, $0x0  }
.Ltmp1:
0x19: {  	_ = 	snop;
	(pc) =	sbr.rel @!p2 .LBB2_6-.Ltmp1, $1  }
0x1a: {  	_ =	sdelay $0x3  }
.LBB2_1:
.Ltmp2:
0x1b: {  	(pc) =	sbr.rel @p0 .LBB2_4-.Ltmp2, $2  }
0x1c: {  	_ =	sdelay $0x2  }
0x1d: {  	s15 =	smov.u32 s3;
	s14 =	smov.u32 s1;
	s13 =	smov.u32 s6  }
.Ltmp3:
0x1e: {  	(pc) =	sbr.rel @p1 .LBB2_5-.Ltmp3, $1  }
0x1f: {  	_ =	sdelay $0x3  }
.Ltmp4:
0x20: {  	(pc) =	sbr.rel .LBB2_4-.Ltmp4, $2  }
0x21: {  	_ =	sdelay $0x2  }
0x22: {  	s15 =	smov.u32 s4;
	s14 =	smov.u32 s5;
	s13 =	smov.u32 s7  }
.LBB2_6:
0x23: {  	_ =	sfence.sel $0x180000  }
0x24: {  	[bflag:$0x0] =	sbarrier.arrive $0xFFFF  }
0x25: {  	p0 =	sne.s32 s2, $0x0;
	_ =	strace $0x90000047  }
0x26: {  	s0 =	sadd.s32 @!p0 $0x100000, s0;
	[bflag:$0x2] =	sbarrier.arrive $0xFFFF  }
0x27: {  	[sflag:s0] =	ssyncadd.tile.s32 @!p0 $0x1;
	_ =	shalt  }
.Lfunc_end2:
_tile_overlayer_lowered:
.L_overlay_start_2:
0x28: {  	(tag) =	ssettag $0x2  }
0x29: {  	s0 =	rddreg [dreg:$0x0];
	s2 =	stileid.u32  }
0x2a: {  	s1 =	rddreg [dreg:$0x1];
	p0 =	sne.s32 s2, $0x0  }
0x2b: {  	s3 =	rddreg [dreg:$0x2];
	[bflag:$0x3] =	sbarrier.arrive $0xFFFF;
	s2 =	simm.s32 @!p0 $0x1C02  }
0x2c: {  	[timem:s3], [sflag:s2] =	dma.local @!p0 [hbm:s0], s1  }
0x2d: {  	s0 =	simm.s32 @!p0 $0x2  }
0x2e: {  	_ =	swait.ge @!p0 [sflag:s0], s1  }
0x2f: {  	s1 =	ssub.s32 @!p0 $0x0, s1;
	[sflag:s0] =	ssyncset.done @!p0 $0x0  }
0x30: {  	[sflag:s0] =	ssyncadd.s32 @!p0 s1  }
0x31: {  	[bflag:$0x3] =	sbarrier.arrive $0xFFFF  }
0x32: {  	_ =	shalt  }

</sc_bundles>
